<compile_context>
chip_gen: v7x
topology: tpu7x:2x2x1
jax: 0.10.2.dev20260603
libtpu: 0.0.44.dev20260713+nightly
codegen_flags: <defaults>
</compile_context>

<pallas_src>
import functools

import jax
import jax.numpy as jnp
from jax import lax
from jax.experimental import pallas as pl
from jax.experimental.pallas import tpu as pltpu
from jax.experimental.pallas import tpu_sc as plsc

NUM_EMBEDDINGS = 100000
EMBEDDING_DIM = 128
BATCH = 4096
SEQ = 50
N_TOKENS = BATCH * SEQ

_INFO = plsc.get_sparse_core_info()
_NW = _INFO.num_cores * _INFO.num_subcores
_PER_W = N_TOKENS // _NW
_CHUNK = 640
_NSTEP = _PER_W // _CHUNK


def _sc_gather(ids_flat, table):
  mesh = plsc.VectorSubcoreMesh(core_axis_name="c", subcore_axis_name="s")

  @functools.partial(
      pl.kernel,
      out_type=jax.ShapeDtypeStruct((N_TOKENS, EMBEDDING_DIM), jnp.float32),
      mesh=mesh,
      scratch_types=[
          pltpu.VMEM((_PER_W,), jnp.int32),
          pltpu.VMEM((_CHUNK, EMBEDDING_DIM), jnp.float32),
          pltpu.SemaphoreType.DMA,
      ],
  )
  def body(ids_hbm, table_hbm, out_hbm, idx_all, rows_v, sem):
    wid = lax.axis_index("s") * _INFO.num_cores + lax.axis_index("c")
    base = wid * _PER_W

    pltpu.sync_copy(ids_hbm.at[pl.ds(base, _PER_W)], idx_all)

    for g in range(_NSTEP):
      pltpu.async_copy(
          table_hbm.at[idx_all.at[pl.ds(g * _CHUNK, _CHUNK)]],
          rows_v, sem).wait()
      pltpu.sync_copy(rows_v, out_hbm.at[pl.ds(base + g * _CHUNK, _CHUNK)])

  return body(ids_flat, table)


def kernel(input_ids, table):
  ids_t_flat = input_ids.T.reshape(N_TOKENS)
  out = _sc_gather(ids_t_flat, table)
  return out.reshape(SEQ, BATCH, EMBEDDING_DIM).transpose(1, 0, 2)

# --- scband reference (transcript-rebuilt; emitter-appended) ---
"""Pipeline reference for scband-pipeline-parallel-embedding-18502719111649 (READ-ONLY COPY).

The authoritative reference and input builder live on the scoring server;
editing this copy changes nothing except your own understanding.
"""

import jax, jax.numpy as jnp
import numpy as np

NUM_EMBEDDINGS = 100000
EMBEDDING_DIM = 128
BATCH = 4096
SEQ = 50


def setup_inputs(seed: int = 0) -> dict:
    key = jax.random.key(seed)
    k_idx, k_tab = jax.random.split(key)
    input_ids = jax.random.randint(k_idx, (BATCH, SEQ), 0, NUM_EMBEDDINGS, dtype=jnp.int32)
    table = jax.random.normal(k_tab, (NUM_EMBEDDINGS, EMBEDDING_DIM), dtype=jnp.float32) * 0.02
    return {"input_ids": input_ids, "table": table}


def reference(input_ids, table):
    # PipelineParallelEmbedding with is_first_stage=True: plain embedding lookup.
    # gather rows of the embedding table by token id -> [B, L, D]
    return jnp.take(table, input_ids, axis=0)

if __name__ == "__main__":
    import jax
    _d = setup_inputs()
    print(jax.jit(kernel)(*tuple(_d.values())))

</pallas_src>

<mosaic_0001>
#map = affine_map<(d0, d1) -> (0)>
#map1 = affine_map<(d0, d1) -> (0, 0)>
module attributes {stable_mosaic.version = 14 : i64} {
  func.func @body(%arg0: i32, %arg1: i32, %arg2: memref<204800xi32, #tpu.memory_space<hbm>>, %arg3: memref<100000x128xf32, #tpu.memory_space<hbm>>, %arg4: memref<204800x128xf32, #tpu.memory_space<hbm>>, %arg5: memref<6400xi32, #tpu.memory_space<vmem>>, %arg6: memref<640x128xf32, #tpu.memory_space<vmem>>, %arg7: memref<!tpu.dma_semaphore, #tpu.memory_space<semaphore_mem>>) attributes {dimension_semantics = [#tpu.dimension_semantics<core_parallel>, #tpu.dimension_semantics<subcore_parallel>], iteration_bounds = array<i64: 2, 16>, scalar_prefetch = 0 : i64, scratch_operands = 3 : i64, tpu.core_type = #tpu.core_type<sc_vector_subcore>, window_params = [{transform_indices = #map}, {transform_indices = #map1}, {transform_indices = #map1}]} {
    %mul3A = arith.constant 2 : i32
    %mul3A_0 = arith.muli %arg1, %mul3A : i32
    %add3A = arith.addi %mul3A_0, %arg0 : i32
    %mul3A_1 = arith.constant 6400 : i32
    %mul3A_2 = arith.muli %add3A, %mul3A_1 : i32
    "tpu.region"() ({
      %run_scoped3A = tpu.sem_alloc : memref<!tpu.dma_semaphore, #tpu.memory_space<semaphore_mem>>
      %dma_start3A_121 = tpu.memref_slice %arg2[%mul3A_2] : memref<204800xi32, #tpu.memory_space<hbm>> -> memref<6400xi32, #tpu.memory_space<hbm>>
      %dma_start3A_122 = tpu.memref_slice %arg2[%mul3A_2] : memref<204800xi32, #tpu.memory_space<hbm>> -> memref<6400xi32, #tpu.memory_space<hbm>>
      tpu.enqueue_dma source(%dma_start3A_122 : memref<6400xi32, #tpu.memory_space<hbm>>) target(%arg5 : memref<6400xi32, #tpu.memory_space<vmem>>) target_semaphore(%run_scoped3A : memref<!tpu.dma_semaphore, #tpu.memory_space<semaphore_mem>>)
      %dma_wait3A_123 = tpu.memref_slice %arg2[%mul3A_2] : memref<204800xi32, #tpu.memory_space<hbm>> -> memref<6400xi32, #tpu.memory_space<hbm>>
      %dma_wait3A_124 = tpu.memref_slice %arg2[%mul3A_2] : memref<204800xi32, #tpu.memory_space<hbm>> -> memref<6400xi32, #tpu.memory_space<hbm>>
      tpu.wait_dma2 semaphore(%run_scoped3A : memref<!tpu.dma_semaphore, #tpu.memory_space<semaphore_mem>>) src(%dma_wait3A_124 : memref<6400xi32, #tpu.memory_space<hbm>>) dst(%arg5 : memref<6400xi32, #tpu.memory_space<vmem>>)
      tpu.yield
    }) : () -> ()
    %dma_start3A = arith.constant 0 : i32
    %dma_start3A_3 = tpu.memref_slice %arg5[%dma_start3A] : memref<6400xi32, #tpu.memory_space<vmem>> -> memref<640xi32, #tpu.memory_space<vmem>>
    %dma_start3A_4 = arith.constant 0 : i32
    %dma_start3A_5 = arith.constant 0 : i32
    %dma_start3A_6 = tpu.memref_slice %arg3[%dma_start3A_4, %dma_start3A_5] : memref<100000x128xf32, #tpu.memory_space<hbm>> -> memref<100000x128xf32, #tpu.memory_space<hbm>>
    tpu.enqueue_indirect_dma source(%dma_start3A_6 : memref<100000x128xf32, #tpu.memory_space<hbm>>) target(%arg6 : memref<640x128xf32, #tpu.memory_space<vmem>>) offsets(%dma_start3A_3 : memref<640xi32, #tpu.memory_space<vmem>>) semaphore(%arg7 : memref<!tpu.dma_semaphore, #tpu.memory_space<semaphore_mem>>)
    %dma_wait3A = arith.constant 0 : i32
    %dma_wait3A_7 = tpu.memref_slice %arg5[%dma_wait3A] : memref<6400xi32, #tpu.memory_space<vmem>> -> memref<640xi32, #tpu.memory_space<vmem>>
    %dma_wait3A_8 = arith.constant 0 : i32
    %dma_wait3A_9 = arith.constant 0 : i32
    %dma_wait3A_10 = tpu.memref_slice %arg3[%dma_wait3A_8, %dma_wait3A_9] : memref<100000x128xf32, #tpu.memory_space<hbm>> -> memref<100000x128xf32, #tpu.memory_space<hbm>>
    tpu.wait_indirect_dma semaphore(%arg7 : memref<!tpu.dma_semaphore, #tpu.memory_space<semaphore_mem>>) src(%dma_wait3A_10 : memref<100000x128xf32, #tpu.memory_space<hbm>>) dst(%arg6 : memref<640x128xf32, #tpu.memory_space<vmem>>)
    %add3A_11 = arith.constant 0 : i32
    %add3A_12 = arith.addi %mul3A_2, %add3A_11 : i32
    "tpu.region"() ({
      %run_scoped3A = tpu.sem_alloc : memref<!tpu.dma_semaphore, #tpu.memory_space<semaphore_mem>>
      %dma_start3A_121 = arith.constant 0 : i32
      %dma_start3A_122 = tpu.memref_slice %arg4[%add3A_12, %dma_start3A_121] : memref<204800x128xf32, #tpu.memory_space<hbm>> -> memref<640x128xf32, #tpu.memory_space<hbm>>
      %dma_start3A_123 = arith.constant 0 : i32
      %dma_start3A_124 = tpu.memref_slice %arg4[%add3A_12, %dma_start3A_123] : memref<204800x128xf32, #tpu.memory_space<hbm>> -> memref<640x128xf32, #tpu.memory_space<hbm>>
      tpu.enqueue_dma source(%arg6 : memref<640x128xf32, #tpu.memory_space<vmem>>) target(%dma_start3A_124 : memref<640x128xf32, #tpu.memory_space<hbm>>) target_semaphore(%run_scoped3A : memref<!tpu.dma_semaphore, #tpu.memory_space<semaphore_mem>>)
      %dma_wait3A_125 = arith.constant 0 : i32
      %dma_wait3A_126 = tpu.memref_slice %arg4[%add3A_12, %dma_wait3A_125] : memref<204800x128xf32, #tpu.memory_space<hbm>> -> memref<640x128xf32, #tpu.memory_space<hbm>>
      %dma_wait3A_127 = arith.constant 0 : i32
      %dma_wait3A_128 = tpu.memref_slice %arg4[%add3A_12, %dma_wait3A_127] : memref<204800x128xf32, #tpu.memory_space<hbm>> -> memref<640x128xf32, #tpu.memory_space<hbm>>
      tpu.wait_dma2 semaphore(%run_scoped3A : memref<!tpu.dma_semaphore, #tpu.memory_space<semaphore_mem>>) src(%arg6 : memref<640x128xf32, #tpu.memory_space<vmem>>) dst(%dma_wait3A_128 : memref<640x128xf32, #tpu.memory_space<hbm>>)
      tpu.yield
    }) : () -> ()
    %dma_start3A_13 = arith.constant 640 : i32
    %dma_start3A_14 = tpu.memref_slice %arg5[%dma_start3A_13] : memref<6400xi32, #tpu.memory_space<vmem>> -> memref<640xi32, #tpu.memory_space<vmem>>
    %dma_start3A_15 = arith.constant 0 : i32
    %dma_start3A_16 = arith.constant 0 : i32
    %dma_start3A_17 = tpu.memref_slice %arg3[%dma_start3A_15, %dma_start3A_16] : memref<100000x128xf32, #tpu.memory_space<hbm>> -> memref<100000x128xf32, #tpu.memory_space<hbm>>
    tpu.enqueue_indirect_dma source(%dma_start3A_17 : memref<100000x128xf32, #tpu.memory_space<hbm>>) target(%arg6 : memref<640x128xf32, #tpu.memory_space<vmem>>) offsets(%dma_start3A_14 : memref<640xi32, #tpu.memory_space<vmem>>) semaphore(%arg7 : memref<!tpu.dma_semaphore, #tpu.memory_space<semaphore_mem>>)
    %dma_wait3A_18 = arith.constant 640 : i32
    %dma_wait3A_19 = tpu.memref_slice %arg5[%dma_wait3A_18] : memref<6400xi32, #tpu.memory_space<vmem>> -> memref<640xi32, #tpu.memory_space<vmem>>
    %dma_wait3A_20 = arith.constant 0 : i32
    %dma_wait3A_21 = arith.constant 0 : i32
    %dma_wait3A_22 = tpu.memref_slice %arg3[%dma_wait3A_20, %dma_wait3A_21] : memref<100000x128xf32, #tpu.memory_space<hbm>> -> memref<100000x128xf32, #tpu.memory_space<hbm>>
    tpu.wait_indirect_dma semaphore(%arg7 : memref<!tpu.dma_semaphore, #tpu.memory_space<semaphore_mem>>) src(%dma_wait3A_22 : memref<100000x128xf32, #tpu.memory_space<hbm>>) dst(%arg6 : memref<640x128xf32, #tpu.memory_space<vmem>>)
    %add3A_23 = arith.constant 640 : i32
    %add3A_24 = arith.addi %mul3A_2, %add3A_23 : i32
    "tpu.region"() ({
      %run_scoped3A = tpu.sem_alloc : memref<!tpu.dma_semaphore, #tpu.memory_space<semaphore_mem>>
      %dma_start3A_121 = arith.constant 0 : i32
      %dma_start3A_122 = tpu.memref_slice %arg4[%add3A_24, %dma_start3A_121] : memref<204800x128xf32, #tpu.memory_space<hbm>> -> memref<640x128xf32, #tpu.memory_space<hbm>>
      %dma_start3A_123 = arith.constant 0 : i32
      %dma_start3A_124 = tpu.memref_slice %arg4[%add3A_24, %dma_start3A_123] : memref<204800x128xf32, #tpu.memory_space<hbm>> -> memref<640x128xf32, #tpu.memory_space<hbm>>
      tpu.enqueue_dma source(%arg6 : memref<640x128xf32, #tpu.memory_space<vmem>>) target(%dma_start3A_124 : memref<640x128xf32, #tpu.memory_space<hbm>>) target_semaphore(%run_scoped3A : memref<!tpu.dma_semaphore, #tpu.memory_space<semaphore_mem>>)
      %dma_wait3A_125 = arith.constant 0 : i32
      %dma_wait3A_126 = tpu.memref_slice %arg4[%add3A_24, %dma_wait3A_125] : memref<204800x128xf32, #tpu.memory_space<hbm>> -> memref<640x128xf32, #tpu.memory_space<hbm>>
      %dma_wait3A_127 = arith.constant 0 : i32
      %dma_wait3A_128 = tpu.memref_slice %arg4[%add3A_24, %dma_wait3A_127] : memref<204800x128xf32, #tpu.memory_space<hbm>> -> memref<640x128xf32, #tpu.memory_space<hbm>>
      tpu.wait_dma2 semaphore(%run_scoped3A : memref<!tpu.dma_semaphore, #tpu.memory_space<semaphore_mem>>) src(%arg6 : memref<640x128xf32, #tpu.memory_space<vmem>>) dst(%dma_wait3A_128 : memref<640x128xf32, #tpu.memory_space<hbm>>)
      tpu.yield
    }) : () -> ()
    %dma_start3A_25 = arith.constant 1280 : i32
    %dma_start3A_26 = tpu.memref_slice %arg5[%dma_start3A_25] : memref<6400xi32, #tpu.memory_space<vmem>> -> memref<640xi32, #tpu.memory_space<vmem>>
    %dma_start3A_27 = arith.constant 0 : i32
    %dma_start3A_28 = arith.constant 0 : i32
    %dma_start3A_29 = tpu.memref_slice %arg3[%dma_start3A_27, %dma_start3A_28] : memref<100000x128xf32, #tpu.memory_space<hbm>> -> memref<100000x128xf32, #tpu.memory_space<hbm>>
    tpu.enqueue_indirect_dma source(%dma_start3A_29 : memref<100000x128xf32, #tpu.memory_space<hbm>>) target(%arg6 : memref<640x128xf32, #tpu.memory_space<vmem>>) offsets(%dma_start3A_26 : memref<640xi32, #tpu.memory_space<vmem>>) semaphore(%arg7 : memref<!tpu.dma_semaphore, #tpu.memory_space<semaphore_mem>>)
    %dma_wait3A_30 = arith.constant 1280 : i32
    %dma_wait3A_31 = tpu.memref_slice %arg5[%dma_wait3A_30] : memref<6400xi32, #tpu.memory_space<vmem>> -> memref<640xi32, #tpu.memory_space<vmem>>
    %dma_wait3A_32 = arith.constant 0 : i32
    %dma_wait3A_33 = arith.constant 0 : i32
    %dma_wait3A_34 = tpu.memref_slice %arg3[%dma_wait3A_32, %dma_wait3A_33] : memref<100000x128xf32, #tpu.memory_space<hbm>> -> memref<100000x128xf32, #tpu.memory_space<hbm>>
    tpu.wait_indirect_dma semaphore(%arg7 : memref<!tpu.dma_semaphore, #tpu.memory_space<semaphore_mem>>) src(%dma_wait3A_34 : memref<100000x128xf32, #tpu.memory_space<hbm>>) dst(%arg6 : memref<640x128xf32, #tpu.memory_space<vmem>>)
    %add3A_35 = arith.constant 1280 : i32
    %add3A_36 = arith.addi %mul3A_2, %add3A_35 : i32
    "tpu.region"() ({
      %run_scoped3A = tpu.sem_alloc : memref<!tpu.dma_semaphore, #tpu.memory_space<semaphore_mem>>
      %dma_start3A_121 = arith.constant 0 : i32
      %dma_start3A_122 = tpu.memref_slice %arg4[%add3A_36, %dma_start3A_121] : memref<204800x128xf32, #tpu.memory_space<hbm>> -> memref<640x128xf32, #tpu.memory_space<hbm>>
      %dma_start3A_123 = arith.constant 0 : i32
      %dma_start3A_124 = tpu.memref_slice %arg4[%add3A_36, %dma_start3A_123] : memref<204800x128xf32, #tpu.memory_space<hbm>> -> memref<640x128xf32, #tpu.memory_space<hbm>>
      tpu.enqueue_dma source(%arg6 : memref<640x128xf32, #tpu.memory_space<vmem>>) target(%dma_start3A_124 : memref<640x128xf32, #tpu.memory_space<hbm>>) target_semaphore(%run_scoped3A : memref<!tpu.dma_semaphore, #tpu.memory_space<semaphore_mem>>)
      %dma_wait3A_125 = arith.constant 0 : i32
      %dma_wait3A_126 = tpu.memref_slice %arg4[%add3A_36, %dma_wait3A_125] : memref<204800x128xf32, #tpu.memory_space<hbm>> -> memref<640x128xf32, #tpu.memory_space<hbm>>
      %dma_wait3A_127 = arith.constant 0 : i32
      %dma_wait3A_128 = tpu.memref_slice %arg4[%add3A_36, %dma_wait3A_127] : memref<204800x128xf32, #tpu.memory_space<hbm>> -> memref<640x128xf32, #tpu.memory_space<hbm>>
      tpu.wait_dma2 semaphore(%run_scoped3A : memref<!tpu.dma_semaphore, #tpu.memory_space<semaphore_mem>>) src(%arg6 : memref<640x128xf32, #tpu.memory_space<vmem>>) dst(%dma_wait3A_128 : memref<640x128xf32, #tpu.memory_space<hbm>>)
      tpu.yield
    }) : () -> ()
    %dma_start3A_37 = arith.constant 1920 : i32
    %dma_start3A_38 = tpu.memref_slice %arg5[%dma_start3A_37] : memref<6400xi32, #tpu.memory_space<vmem>> -> memref<640xi32, #tpu.memory_space<vmem>>
    %dma_start3A_39 = arith.constant 0 : i32
    %dma_start3A_40 = arith.constant 0 : i32
    %dma_start3A_41 = tpu.memref_slice %arg3[%dma_start3A_39, %dma_start3A_40] : memref<100000x128xf32, #tpu.memory_space<hbm>> -> memref<100000x128xf32, #tpu.memory_space<hbm>>
    tpu.enqueue_indirect_dma source(%dma_start3A_41 : memref<100000x128xf32, #tpu.memory_space<hbm>>) target(%arg6 : memref<640x128xf32, #tpu.memory_space<vmem>>) offsets(%dma_start3A_38 : memref<640xi32, #tpu.memory_space<vmem>>) semaphore(%arg7 : memref<!tpu.dma_semaphore, #tpu.memory_space<semaphore_mem>>)
    %dma_wait3A_42 = arith.constant 1920 : i32
    %dma_wait3A_43 = tpu.memref_slice %arg5[%dma_wait3A_42] : memref<6400xi32, #tpu.memory_space<vmem>> -> memref<640xi32, #tpu.memory_space<vmem>>
    %dma_wait3A_44 = arith.constant 0 : i32
    %dma_wait3A_45 = arith.constant 0 : i32
    %dma_wait3A_46 = tpu.memref_slice %arg3[%dma_wait3A_44, %dma_wait3A_45] : memref<100000x128xf32, #tpu.memory_space<hbm>> -> memref<100000x128xf32, #tpu.memory_space<hbm>>
    tpu.wait_indirect_dma semaphore(%arg7 : memref<!tpu.dma_semaphore, #tpu.memory_space<semaphore_mem>>) src(%dma_wait3A_46 : memref<100000x128xf32, #tpu.memory_space<hbm>>) dst(%arg6 : memref<640x128xf32, #tpu.memory_space<vmem>>)
    %add3A_47 = arith.constant 1920 : i32
    %add3A_48 = arith.addi %mul3A_2, %add3A_47 : i32
    "tpu.region"() ({
      %run_scoped3A = tpu.sem_alloc : memref<!tpu.dma_semaphore, #tpu.memory_space<semaphore_mem>>
      %dma_start3A_121 = arith.constant 0 : i32
      %dma_start3A_122 = tpu.memref_slice %arg4[%add3A_48, %dma_start3A_121] : memref<204800x128xf32, #tpu.memory_space<hbm>> -> memref<640x128xf32, #tpu.memory_space<hbm>>
      %dma_start3A_123 = arith.constant 0 : i32
      %dma_start3A_124 = tpu.memref_slice %arg4[%add3A_48, %dma_start3A_123] : memref<204800x128xf32, #tpu.memory_space<hbm>> -> memref<640x128xf32, #tpu.memory_space<hbm>>
      tpu.enqueue_dma source(%arg6 : memref<640x128xf32, #tpu.memory_space<vmem>>) target(%dma_start3A_124 : memref<640x128xf32, #tpu.memory_space<hbm>>) target_semaphore(%run_scoped3A : memref<!tpu.dma_semaphore, #tpu.memory_space<semaphore_mem>>)
      %dma_wait3A_125 = arith.constant 0 : i32
      %dma_wait3A_126 = tpu.memref_slice %arg4[%add3A_48, %dma_wait3A_125] : memref<204800x128xf32, #tpu.memory_space<hbm>> -> memref<640x128xf32, #tpu.memory_space<hbm>>
      %dma_wait3A_127 = arith.constant 0 : i32
      %dma_wait3A_128 = tpu.memref_slice %arg4[%add3A_48, %dma_wait3A_127] : memref<204800x128xf32, #tpu.memory_space<hbm>> -> memref<640x128xf32, #tpu.memory_space<hbm>>
      tpu.wait_dma2 semaphore(%run_scoped3A : memref<!tpu.dma_semaphore, #tpu.memory_space<semaphore_mem>>) src(%arg6 : memref<640x128xf32, #tpu.memory_space<vmem>>) dst(%dma_wait3A_128 : memref<640x128xf32, #tpu.memory_space<hbm>>)
      tpu.yield
    }) : () -> ()
    %dma_start3A_49 = arith.constant 2560 : i32
    %dma_start3A_50 = tpu.memref_slice %arg5[%dma_start3A_49] : memref<6400xi32, #tpu.memory_space<vmem>> -> memref<640xi32, #tpu.memory_space<vmem>>
    %dma_start3A_51 = arith.constant 0 : i32
    %dma_start3A_52 = arith.constant 0 : i32
    %dma_start3A_53 = tpu.memref_slice %arg3[%dma_start3A_51, %dma_start3A_52] : memref<100000x128xf32, #tpu.memory_space<hbm>> -> memref<100000x128xf32, #tpu.memory_space<hbm>>
    tpu.enqueue_indirect_dma source(%dma_start3A_53 : memref<100000x128xf32, #tpu.memory_space<hbm>>) target(%arg6 : memref<640x128xf32, #tpu.memory_space<vmem>>) offsets(%dma_start3A_50 : memref<640xi32, #tpu.memory_space<vmem>>) semaphore(%arg7 : memref<!tpu.dma_semaphore, #tpu.memory_space<semaphore_mem>>)
    %dma_wait3A_54 = arith.constant 2560 : i32
    %dma_wait3A_55 = tpu.memref_slice %arg5[%dma_wait3A_54] : memref<6400xi32, #tpu.memory_space<vmem>> -> memref<640xi32, #tpu.memory_space<vmem>>
    %dma_wait3A_56 = arith.constant 0 : i32
    %dma_wait3A_57 = arith.constant 0 : i32
    %dma_wait3A_58 = tpu.memref_slice %arg3[%dma_wait3A_56, %dma_wait3A_57] : memref<100000x128xf32, #tpu.memory_space<hbm>> -> memref<100000x128xf32, #tpu.memory_space<hbm>>
    tpu.wait_indirect_dma semaphore(%arg7 : memref<!tpu.dma_semaphore, #tpu.memory_space<semaphore_mem>>) src(%dma_wait3A_58 : memref<100000x128xf32, #tpu.memory_space<hbm>>) dst(%arg6 : memref<640x128xf32, #tpu.memory_space<vmem>>)
    %add3A_59 = arith.constant 2560 : i32
    %add3A_60 = arith.addi %mul3A_2, %add3A_59 : i32
    "tpu.region"() ({
      %run_scoped3A = tpu.sem_alloc : memref<!tpu.dma_semaphore, #tpu.memory_space<semaphore_mem>>
      %dma_start3A_121 = arith.constant 0 : i32
      %dma_start3A_122 = tpu.memref_slice %arg4[%add3A_60, %dma_start3A_121] : memref<204800x128xf32, #tpu.memory_space<hbm>> -> memref<640x128xf32, #tpu.memory_space<hbm>>
      %dma_start3A_123 = arith.constant 0 : i32
      %dma_start3A_124 = tpu.memref_slice %arg4[%add3A_60, %dma_start3A_123] : memref<204800x128xf32, #tpu.memory_space<hbm>> -> memref<640x128xf32, #tpu.memory_space<hbm>>
      tpu.enqueue_dma source(%arg6 : memref<640x128xf32, #tpu.memory_space<vmem>>) target(%dma_start3A_124 : memref<640x128xf32, #tpu.memory_space<hbm>>) target_semaphore(%run_scoped3A : memref<!tpu.dma_semaphore, #tpu.memory_space<semaphore_mem>>)
      %dma_wait3A_125 = arith.constant 0 : i32
      %dma_wait3A_126 = tpu.memref_slice %arg4[%add3A_60, %dma_wait3A_125] : memref<204800x128xf32, #tpu.memory_space<hbm>> -> memref<640x128xf32, #tpu.memory_space<hbm>>
      %dma_wait3A_127 = arith.constant 0 : i32
      %dma_wait3A_128 = tpu.memref_slice %arg4[%add3A_60, %dma_wait3A_127] : memref<204800x128xf32, #tpu.memory_space<hbm>> -> memref<640x128xf32, #tpu.memory_space<hbm>>
      tpu.wait_dma2 semaphore(%run_scoped3A : memref<!tpu.dma_semaphore, #tpu.memory_space<semaphore_mem>>) src(%arg6 : memref<640x128xf32, #tpu.memory_space<vmem>>) dst(%dma_wait3A_128 : memref<640x128xf32, #tpu.memory_space<hbm>>)
      tpu.yield
    }) : () -> ()
    %dma_start3A_61 = arith.constant 3200 : i32
    %dma_start3A_62 = tpu.memref_slice %arg5[%dma_start3A_61] : memref<6400xi32, #tpu.memory_space<vmem>> -> memref<640xi32, #tpu.memory_space<vmem>>
    %dma_start3A_63 = arith.constant 0 : i32
    %dma_start3A_64 = arith.constant 0 : i32
    %dma_start3A_65 = tpu.memref_slice %arg3[%dma_start3A_63, %dma_start3A_64] : memref<100000x128xf32, #tpu.memory_space<hbm>> -> memref<100000x128xf32, #tpu.memory_space<hbm>>
    tpu.enqueue_indirect_dma source(%dma_start3A_65 : memref<100000x128xf32, #tpu.memory_space<hbm>>) target(%arg6 : memref<640x128xf32, #tpu.memory_space<vmem>>) offsets(%dma_start3A_62 : memref<640xi32, #tpu.memory_space<vmem>>) semaphore(%arg7 : memref<!tpu.dma_semaphore, #tpu.memory_space<semaphore_mem>>)
    %dma_wait3A_66 = arith.constant 3200 : i32
    %dma_wait3A_67 = tpu.memref_slice %arg5[%dma_wait3A_66] : memref<6400xi32, #tpu.memory_space<vmem>> -> memref<640xi32, #tpu.memory_space<vmem>>
    %dma_wait3A_68 = arith.constant 0 : i32
    %dma_wait3A_69 = arith.constant 0 : i32
    %dma_wait3A_70 = tpu.memref_slice %arg3[%dma_wait3A_68, %dma_wait3A_69] : memref<100000x128xf32, #tpu.memory_space<hbm>> -> memref<100000x128xf32, #tpu.memory_space<hbm>>
    tpu.wait_indirect_dma semaphore(%arg7 : memref<!tpu.dma_semaphore, #tpu.memory_space<semaphore_mem>>) src(%dma_wait3A_70 : memref<100000x128xf32, #tpu.memory_space<hbm>>) dst(%arg6 : memref<640x128xf32, #tpu.memory_space<vmem>>)
    %add3A_71 = arith.constant 3200 : i32
    %add3A_72 = arith.addi %mul3A_2, %add3A_71 : i32
    "tpu.region"() ({
      %run_scoped3A = tpu.sem_alloc : memref<!tpu.dma_semaphore, #tpu.memory_space<semaphore_mem>>
      %dma_start3A_121 = arith.constant 0 : i32
      %dma_start3A_122 = tpu.memref_slice %arg4[%add3A_72, %dma_start3A_121] : memref<204800x128xf32, #tpu.memory_space<hbm>> -> memref<640x128xf32, #tpu.memory_space<hbm>>
      %dma_start3A_123 = arith.constant 0 : i32
      %dma_start3A_124 = tpu.memref_slice %arg4[%add3A_72, %dma_start3A_123] : memref<204800x128xf32, #tpu.memory_space<hbm>> -> memref<640x128xf32, #tpu.memory_space<hbm>>
      tpu.enqueue_dma source(%arg6 : memref<640x128xf32, #tpu.memory_space<vmem>>) target(%dma_start3A_124 : memref<640x128xf32, #tpu.memory_space<hbm>>) target_semaphore(%run_scoped3A : memref<!tpu.dma_semaphore, #tpu.memory_space<semaphore_mem>>)
      %dma_wait3A_125 = arith.constant 0 : i32
      %dma_wait3A_126 = tpu.memref_slice %arg4[%add3A_72, %dma_wait3A_125] : memref<204800x128xf32, #tpu.memory_space<hbm>> -> memref<640x128xf32, #tpu.memory_space<hbm>>
      %dma_wait3A_127 = arith.constant 0 : i32
      %dma_wait3A_128 = tpu.memref_slice %arg4[%add3A_72, %dma_wait3A_127] : memref<204800x128xf32, #tpu.memory_space<hbm>> -> memref<640x128xf32, #tpu.memory_space<hbm>>
      tpu.wait_dma2 semaphore(%run_scoped3A : memref<!tpu.dma_semaphore, #tpu.memory_space<semaphore_mem>>) src(%arg6 : memref<640x128xf32, #tpu.memory_space<vmem>>) dst(%dma_wait3A_128 : memref<640x128xf32, #tpu.memory_space<hbm>>)
      tpu.yield
    }) : () -> ()
    %dma_start3A_73 = arith.constant 3840 : i32
    %dma_start3A_74 = tpu.memref_slice %arg5[%dma_start3A_73] : memref<6400xi32, #tpu.memory_space<vmem>> -> memref<640xi32, #tpu.memory_space<vmem>>
    %dma_start3A_75 = arith.constant 0 : i32
    %dma_start3A_76 = arith.constant 0 : i32
    %dma_start3A_77 = tpu.memref_slice %arg3[%dma_start3A_75, %dma_start3A_76] : memref<100000x128xf32, #tpu.memory_space<hbm>> -> memref<100000x128xf32, #tpu.memory_space<hbm>>
    tpu.enqueue_indirect_dma source(%dma_start3A_77 : memref<100000x128xf32, #tpu.memory_space<hbm>>) target(%arg6 : memref<640x128xf32, #tpu.memory_space<vmem>>) offsets(%dma_start3A_74 : memref<640xi32, #tpu.memory_space<vmem>>) semaphore(%arg7 : memref<!tpu.dma_semaphore, #tpu.memory_space<semaphore_mem>>)
    %dma_wait3A_78 = arith.constant 3840 : i32
    %dma_wait3A_79 = tpu.memref_slice %arg5[%dma_wait3A_78] : memref<6400xi32, #tpu.memory_space<vmem>> -> memref<640xi32, #tpu.memory_space<vmem>>
    %dma_wait3A_80 = arith.constant 0 : i32
    %dma_wait3A_81 = arith.constant 0 : i32
    %dma_wait3A_82 = tpu.memref_slice %arg3[%dma_wait3A_80, %dma_wait3A_81] : memref<100000x128xf32, #tpu.memory_space<hbm>> -> memref<100000x128xf32, #tpu.memory_space<hbm>>
    tpu.wait_indirect_dma semaphore(%arg7 : memref<!tpu.dma_semaphore, #tpu.memory_space<semaphore_mem>>) src(%dma_wait3A_82 : memref<100000x128xf32, #tpu.memory_space<hbm>>) dst(%arg6 : memref<640x128xf32, #tpu.memory_space<vmem>>)
    %add3A_83 = arith.constant 3840 : i32
    %add3A_84 = arith.addi %mul3A_2, %add3A_83 : i32
    "tpu.region"() ({
      %run_scoped3A = tpu.sem_alloc : memref<!tpu.dma_semaphore, #tpu.memory_space<semaphore_mem>>
      %dma_start3A_121 = arith.constant 0 : i32
      %dma_start3A_122 = tpu.memref_slice %arg4[%add3A_84, %dma_start3A_121] : memref<204800x128xf32, #tpu.memory_space<hbm>> -> memref<640x128xf32, #tpu.memory_space<hbm>>
      %dma_start3A_123 = arith.constant 0 : i32
      %dma_start3A_124 = tpu.memref_slice %arg4[%add3A_84, %dma_start3A_123] : memref<204800x128xf32, #tpu.memory_space<hbm>> -> memref<640x128xf32, #tpu.memory_space<hbm>>
      tpu.enqueue_dma source(%arg6 : memref<640x128xf32, #tpu.memory_space<vmem>>) target(%dma_start3A_124 : memref<640x128xf32, #tpu.memory_space<hbm>>) target_semaphore(%run_scoped3A : memref<!tpu.dma_semaphore, #tpu.memory_space<semaphore_mem>>)
      %dma_wait3A_125 = arith.constant 0 : i32
      %dma_wait3A_126 = tpu.memref_slice %arg4[%add3A_84, %dma_wait3A_125] : memref<204800x128xf32, #tpu.memory_space<hbm>> -> memref<640x128xf32, #tpu.memory_space<hbm>>
      %dma_wait3A_127 = arith.constant 0 : i32
      %dma_wait3A_128 = tpu.memref_slice %arg4[%add3A_84, %dma_wait3A_127] : memref<204800x128xf32, #tpu.memory_space<hbm>> -> memref<640x128xf32, #tpu.memory_space<hbm>>
      tpu.wait_dma2 semaphore(%run_scoped3A : memref<!tpu.dma_semaphore, #tpu.memory_space<semaphore_mem>>) src(%arg6 : memref<640x128xf32, #tpu.memory_space<vmem>>) dst(%dma_wait3A_128 : memref<640x128xf32, #tpu.memory_space<hbm>>)
      tpu.yield
    }) : () -> ()
    %dma_start3A_85 = arith.constant 4480 : i32
    %dma_start3A_86 = tpu.memref_slice %arg5[%dma_start3A_85] : memref<6400xi32, #tpu.memory_space<vmem>> -> memref<640xi32, #tpu.memory_space<vmem>>
    %dma_start3A_87 = arith.constant 0 : i32
    %dma_start3A_88 = arith.constant 0 : i32
    %dma_start3A_89 = tpu.memref_slice %arg3[%dma_start3A_87, %dma_start3A_88] : memref<100000x128xf32, #tpu.memory_space<hbm>> -> memref<100000x128xf32, #tpu.memory_space<hbm>>
    tpu.enqueue_indirect_dma source(%dma_start3A_89 : memref<100000x128xf32, #tpu.memory_space<hbm>>) target(%arg6 : memref<640x128xf32, #tpu.memory_space<vmem>>) offsets(%dma_start3A_86 : memref<640xi32, #tpu.memory_space<vmem>>) semaphore(%arg7 : memref<!tpu.dma_semaphore, #tpu.memory_space<semaphore_mem>>)
    %dma_wait3A_90 = arith.constant 4480 : i32
    %dma_wait3A_91 = tpu.memref_slice %arg5[%dma_wait3A_90] : memref<6400xi32, #tpu.memory_space<vmem>> -> memref<640xi32, #tpu.memory_space<vmem>>
    %dma_wait3A_92 = arith.constant 0 : i32
    %dma_wait3A_93 = arith.constant 0 : i32
    %dma_wait3A_94 = tpu.memref_slice %arg3[%dma_wait3A_92, %dma_wait3A_93] : memref<100000x128xf32, #tpu.memory_space<hbm>> -> memref<100000x128xf32, #tpu.memory_space<hbm>>
    tpu.wait_indirect_dma semaphore(%arg7 : memref<!tpu.dma_semaphore, #tpu.memory_space<semaphore_mem>>) src(%dma_wait3A_94 : memref<100000x128xf32, #tpu.memory_space<hbm>>) dst(%arg6 : memref<640x128xf32, #tpu.memory_space<vmem>>)
    %add3A_95 = arith.constant 4480 : i32
    %add3A_96 = arith.addi %mul3A_2, %add3A_95 : i32
    "tpu.region"() ({
      %run_scoped3A = tpu.sem_alloc : memref<!tpu.dma_semaphore, #tpu.memory_space<semaphore_mem>>
      %dma_start3A_121 = arith.constant 0 : i32
      %dma_start3A_122 = tpu.memref_slice %arg4[%add3A_96, %dma_start3A_121] : memref<204800x128xf32, #tpu.memory_space<hbm>> -> memref<640x128xf32, #tpu.memory_space<hbm>>
      %dma_start3A_123 = arith.constant 0 : i32
      %dma_start3A_124 = tpu.memref_slice %arg4[%add3A_96, %dma_start3A_123] : memref<204800x128xf32, #tpu.memory_space<hbm>> -> memref<640x128xf32, #tpu.memory_space<hbm>>
      tpu.enqueue_dma source(%arg6 : memref<640x128xf32, #tpu.memory_space<vmem>>) target(%dma_start3A_124 : memref<640x128xf32, #tpu.memory_space<hbm>>) target_semaphore(%run_scoped3A : memref<!tpu.dma_semaphore, #tpu.memory_space<semaphore_mem>>)
      %dma_wait3A_125 = arith.constant 0 : i32
      %dma_wait3A_126 = tpu.memref_slice %arg4[%add3A_96, %dma_wait3A_125] : memref<204800x128xf32, #tpu.memory_space<hbm>> -> memref<640x128xf32, #tpu.memory_space<hbm>>
      %dma_wait3A_127 = arith.constant 0 : i32
      %dma_wait3A_128 = tpu.memref_slice %arg4[%add3A_96, %dma_wait3A_127] : memref<204800x128xf32, #tpu.memory_space<hbm>> -> memref<640x128xf32, #tpu.memory_space<hbm>>
      tpu.wait_dma2 semaphore(%run_scoped3A : memref<!tpu.dma_semaphore, #tpu.memory_space<semaphore_mem>>) src(%arg6 : memref<640x128xf32, #tpu.memory_space<vmem>>) dst(%dma_wait3A_128 : memref<640x128xf32, #tpu.memory_space<hbm>>)
      tpu.yield
    }) : () -> ()
    %dma_start3A_97 = arith.constant 5120 : i32
    %dma_start3A_98 = tpu.memref_slice %arg5[%dma_start3A_97] : memref<6400xi32, #tpu.memory_space<vmem>> -> memref<640xi32, #tpu.memory_space<vmem>>
    %dma_start3A_99 = arith.constant 0 : i32
    %dma_start3A_100 = arith.constant 0 : i32
    %dma_start3A_101 = tpu.memref_slice %arg3[%dma_start3A_99, %dma_start3A_100] : memref<100000x128xf32, #tpu.memory_space<hbm>> -> memref<100000x128xf32, #tpu.memory_space<hbm>>
    tpu.enqueue_indirect_dma source(%dma_start3A_101 : memref<100000x128xf32, #tpu.memory_space<hbm>>) target(%arg6 : memref<640x128xf32, #tpu.memory_space<vmem>>) offsets(%dma_start3A_98 : memref<640xi32, #tpu.memory_space<vmem>>) semaphore(%arg7 : memref<!tpu.dma_semaphore, #tpu.memory_space<semaphore_mem>>)
    %dma_wait3A_102 = arith.constant 5120 : i32
    %dma_wait3A_103 = tpu.memref_slice %arg5[%dma_wait3A_102] : memref<6400xi32, #tpu.memory_space<vmem>> -> memref<640xi32, #tpu.memory_space<vmem>>
    %dma_wait3A_104 = arith.constant 0 : i32
    %dma_wait3A_105 = arith.constant 0 : i32
    %dma_wait3A_106 = tpu.memref_slice %arg3[%dma_wait3A_104, %dma_wait3A_105] : memref<100000x128xf32, #tpu.memory_space<hbm>> -> memref<100000x128xf32, #tpu.memory_space<hbm>>
    tpu.wait_indirect_dma semaphore(%arg7 : memref<!tpu.dma_semaphore, #tpu.memory_space<semaphore_mem>>) src(%dma_wait3A_106 : memref<100000x128xf32, #tpu.memory_space<hbm>>) dst(%arg6 : memref<640x128xf32, #tpu.memory_space<vmem>>)
    %add3A_107 = arith.constant 5120 : i32
    %add3A_108 = arith.addi %mul3A_2, %add3A_107 : i32
    "tpu.region"() ({
      %run_scoped3A = tpu.sem_alloc : memref<!tpu.dma_semaphore, #tpu.memory_space<semaphore_mem>>
      %dma_start3A_121 = arith.constant 0 : i32
      %dma_start3A_122 = tpu.memref_slice %arg4[%add3A_108, %dma_start3A_121] : memref<204800x128xf32, #tpu.memory_space<hbm>> -> memref<640x128xf32, #tpu.memory_space<hbm>>
      %dma_start3A_123 = arith.constant 0 : i32
      %dma_start3A_124 = tpu.memref_slice %arg4[%add3A_108, %dma_start3A_123] : memref<204800x128xf32, #tpu.memory_space<hbm>> -> memref<640x128xf32, #tpu.memory_space<hbm>>
      tpu.enqueue_dma source(%arg6 : memref<640x128xf32, #tpu.memory_space<vmem>>) target(%dma_start3A_124 : memref<640x128xf32, #tpu.memory_space<hbm>>) target_semaphore(%run_scoped3A : memref<!tpu.dma_semaphore, #tpu.memory_space<semaphore_mem>>)
      %dma_wait3A_125 = arith.constant 0 : i32
      %dma_wait3A_126 = tpu.memref_slice %arg4[%add3A_108, %dma_wait3A_125] : memref<204800x128xf32, #tpu.memory_space<hbm>> -> memref<640x128xf32, #tpu.memory_space<hbm>>
      %dma_wait3A_127 = arith.constant 0 : i32
      %dma_wait3A_128 = tpu.memref_slice %arg4[%add3A_108, %dma_wait3A_127] : memref<204800x128xf32, #tpu.memory_space<hbm>> -> memref<640x128xf32, #tpu.memory_space<hbm>>
      tpu.wait_dma2 semaphore(%run_scoped3A : memref<!tpu.dma_semaphore, #tpu.memory_space<semaphore_mem>>) src(%arg6 : memref<640x128xf32, #tpu.memory_space<vmem>>) dst(%dma_wait3A_128 : memref<640x128xf32, #tpu.memory_space<hbm>>)
      tpu.yield
    }) : () -> ()
    %dma_start3A_109 = arith.constant 5760 : i32
    %dma_start3A_110 = tpu.memref_slice %arg5[%dma_start3A_109] : memref<6400xi32, #tpu.memory_space<vmem>> -> memref<640xi32, #tpu.memory_space<vmem>>
    %dma_start3A_111 = arith.constant 0 : i32
    %dma_start3A_112 = arith.constant 0 : i32
    %dma_start3A_113 = tpu.memref_slice %arg3[%dma_start3A_111, %dma_start3A_112] : memref<100000x128xf32, #tpu.memory_space<hbm>> -> memref<100000x128xf32, #tpu.memory_space<hbm>>
    tpu.enqueue_indirect_dma source(%dma_start3A_113 : memref<100000x128xf32, #tpu.memory_space<hbm>>) target(%arg6 : memref<640x128xf32, #tpu.memory_space<vmem>>) offsets(%dma_start3A_110 : memref<640xi32, #tpu.memory_space<vmem>>) semaphore(%arg7 : memref<!tpu.dma_semaphore, #tpu.memory_space<semaphore_mem>>)
    %dma_wait3A_114 = arith.constant 5760 : i32
    %dma_wait3A_115 = tpu.memref_slice %arg5[%dma_wait3A_114] : memref<6400xi32, #tpu.memory_space<vmem>> -> memref<640xi32, #tpu.memory_space<vmem>>
    %dma_wait3A_116 = arith.constant 0 : i32
    %dma_wait3A_117 = arith.constant 0 : i32
    %dma_wait3A_118 = tpu.memref_slice %arg3[%dma_wait3A_116, %dma_wait3A_117] : memref<100000x128xf32, #tpu.memory_space<hbm>> -> memref<100000x128xf32, #tpu.memory_space<hbm>>
    tpu.wait_indirect_dma semaphore(%arg7 : memref<!tpu.dma_semaphore, #tpu.memory_space<semaphore_mem>>) src(%dma_wait3A_118 : memref<100000x128xf32, #tpu.memory_space<hbm>>) dst(%arg6 : memref<640x128xf32, #tpu.memory_space<vmem>>)
    %add3A_119 = arith.constant 5760 : i32
    %add3A_120 = arith.addi %mul3A_2, %add3A_119 : i32
    "tpu.region"() ({
      %run_scoped3A = tpu.sem_alloc : memref<!tpu.dma_semaphore, #tpu.memory_space<semaphore_mem>>
      %dma_start3A_121 = arith.constant 0 : i32
      %dma_start3A_122 = tpu.memref_slice %arg4[%add3A_120, %dma_start3A_121] : memref<204800x128xf32, #tpu.memory_space<hbm>> -> memref<640x128xf32, #tpu.memory_space<hbm>>
      %dma_start3A_123 = arith.constant 0 : i32
      %dma_start3A_124 = tpu.memref_slice %arg4[%add3A_120, %dma_start3A_123] : memref<204800x128xf32, #tpu.memory_space<hbm>> -> memref<640x128xf32, #tpu.memory_space<hbm>>
      tpu.enqueue_dma source(%arg6 : memref<640x128xf32, #tpu.memory_space<vmem>>) target(%dma_start3A_124 : memref<640x128xf32, #tpu.memory_space<hbm>>) target_semaphore(%run_scoped3A : memref<!tpu.dma_semaphore, #tpu.memory_space<semaphore_mem>>)
      %dma_wait3A_125 = arith.constant 0 : i32
      %dma_wait3A_126 = tpu.memref_slice %arg4[%add3A_120, %dma_wait3A_125] : memref<204800x128xf32, #tpu.memory_space<hbm>> -> memref<640x128xf32, #tpu.memory_space<hbm>>
      %dma_wait3A_127 = arith.constant 0 : i32
      %dma_wait3A_128 = tpu.memref_slice %arg4[%add3A_120, %dma_wait3A_127] : memref<204800x128xf32, #tpu.memory_space<hbm>> -> memref<640x128xf32, #tpu.memory_space<hbm>>
      tpu.wait_dma2 semaphore(%run_scoped3A : memref<!tpu.dma_semaphore, #tpu.memory_space<semaphore_mem>>) src(%arg6 : memref<640x128xf32, #tpu.memory_space<vmem>>) dst(%dma_wait3A_128 : memref<640x128xf32, #tpu.memory_space<hbm>>)
      tpu.yield
    }) : () -> ()
    return
  }
}

</mosaic_0001>

<sc_bundles>
// kernel: kernel.3.cloned.1.call-start
scs
__scs_entry_jumppad:
0x0: {  	(pc) =	sbr.rel $0x88, $3  }
0x1: {  	(tag) =	ssettag $0x0;
	lr =	simm.s32 $0x1  }
0x2: {  	[smem:$0x3F9F] =	sst lr;
	_ =	strace $0xD0000000  }
0x3: {  	_ = 	snop  }
0x4: {  	_ = 	snop  }
0x5: {  	_ = 	snop  }
0x6: {  	_ = 	snop  }
0x7: {  	_ = 	snop  }
__scs_overlays_trampoline_lowered:
0x8: {  	[smem:$0x3FAE] =	sst s0  }
0x9: {  	[smem:$0x3FAF] =	sst s1  }
0xa: {  	[smem:$0x3FB0] =	sst s2  }
0xb: {  	[smem:$0x3FB1] =	sst s3  }
0xc: {  	[smem:$0x3FB2] =	sst s4  }
0xd: {  	[smem:$0x3FB3] =	sst s5  }
0xe: {  	[smem:$0x3FB4] =	sst s6  }
0xf: {  	[smem:$0x3FB5] =	sst s7  }
0x10: {  	[smem:$0x3FB6] =	sst s8  }
0x11: {  	[smem:$0x3FB7] =	sst s9;
	s0 =	simm.s32 @!p0 $0x0  }
0x12: {  	s1 =	sld [smem:$0x3F9D];
	s0 =	simm.s32 @p0 $0x1  }
0x13: {  	[smem:$0x3FB8] =	sst s0;
	s0 =	simm.s32 @!p1 $0x0  }
0x14: {  	s2 =	sld [smem:$0x3F9C];
	s0 =	simm.s32 @p1 $0x1  }
0x15: {  	[smem:$0x3FB9] =	sst s0;
	s0 =	simm.s32 @!p2 $0x0  }
0x16: {  	s3 =	sld [smem:$0x3FDB];
	s0 =	simm.s32 @p2 $0x1  }
0x17: {  	s4 =	simm.s32 $0x1BF5;
	[smem:$0x3FBB] =	sst s0  }
0x18: {  	s0 =	sld [smem:$0x3F9E];
	_ =	swait.ge [sflag:s4], $0x0  }
0x19: {  	s7 =	sld [smem:$0x3F9F]  }
0x1a: {  	s8 =	sadd.s32 $0xFFFFE003, lr  }
0x1b: {  	s9 =	sadd.s32 $0xFFFFFEF7, lr;
	s5 =	simm.s32 $0xFFFFFFFF;
	p2 =	slt.u32 s8, $0xFFFFF086  }
0x1c: {  	p1 =	slt.u32 s9, $0xF7A;
	s5 =	simm.s32 @!p2 $0x0  }
0x1d: {  	s5 =	simm.s32 @p1 $0x1;
	p0 =	seq.s32 s7, s2  }
0x1e: {  	s7 =	smul.u32 @!p0 $0xF7A, s2;
	p2 =	seq.s32 @!p0 s5, $0x0  }
0x1f: {  	s9 =	smul.u32 $0xF7A, s1;
	s8 =	simm.s32 @!p0 $0x1BF5;
	p2 =	por !p2, p0  }
0x20: {  	[sflag:s8] =	ssyncset.s32 @!p0 $0xFFFFF086;
	s6 =	sadd.s32 @!p0 s3, s7;
	s7 =	simm.s32 @!p0 $0x108  }
0x21: {  	s3 =	sadd.s32 s3, s9;
	s6 =	sadd.s32 @!p0 $0x88, s6;
	s7 =	simm.s32 @p2 $0x1082  }
0x22: {  	[simem:s7], [sflag:s8] =	dma.local @!p0 [hbm:s6], $0xF7A  }
0x23: {  	s9 =	sor.u32 $0xD0000000, s2;
	s6 =	simm.s32 $0x108;
	_ =	swait.ge @!p0 [sflag:s8], $0x0  }
0x24: {  	s3 =	sadd.s32 $0x88, s3;
	s6 =	simm.s32 @!p1 $0x1082;
	[sflag:s4] =	ssyncset.s32 $0xFFFFF086  }
0x25: {  	[simem:s6], [sflag:s4] =	dma.local [hbm:s3], $0xF7A  }
0x26: {  	[smem:$0x3F9F] =	sst s1;
	(tag) =	ssettag s2;
	_ =	strace s9  }
0x27: {  	s1 =	sld [smem:$0x3FAF]  }
0x28: {  	s2 =	sld [smem:$0x3FB0]  }
0x29: {  	s4 =	sld [smem:$0x3FB2]  }
0x2a: {  	p0 =	seq.s32 s5, $0x0;
	s5 =	sld [smem:$0x3FB3]  }
0x2b: {  	s6 =	sld [smem:$0x3FB4]  }
0x2c: {  	s7 =	sld [smem:$0x3FB5]  }
0x2d: {  	s3 =	simm.s32 $0x108;
	s8 =	sld [smem:$0x3FB6]  }
0x2e: {  	s3 =	simm.s32 @!p0 $0x1082;
	s9 =	sld [smem:$0x3FB7]  }
0x2f: {  	lr =	sadd.s32 s0, s3;
	s0 =	sld [smem:$0x3FAE]  }
0x30: {  	s3 =	sld [smem:$0x3FB1]  }
0x31: {  	[smem:$0x3FBA] =	sst s10  }
0x32: {  	s10 =	sld [smem:$0x3FB8];
	_ =	sdelay $0x3  }
0x33: {  	p0 =	seq.s32 s10, $0x1;
	s10 =	sld [smem:$0x3FBA];
	_ =	sdelay $0x3  }
0x34: {  	[smem:$0x3FBA] =	sst s10  }
0x35: {  	s10 =	sld [smem:$0x3FB9];
	_ =	sdelay $0x3  }
0x36: {  	p1 =	seq.s32 s10, $0x1;
	s10 =	sld [smem:$0x3FBA];
	_ =	sdelay $0x3  }
0x37: {  	[smem:$0x3FBA] =	sst s10  }
0x38: {  	s10 =	sld [smem:$0x3FBB]  }
0x39: {  	_ = 	snop;
	(pc) =	sbr.ind lr, $3  }
0x3a: {  	_ = 	snop  }
0x3b: {  	_ = 	snop  }
0x3c: {  	p2 =	seq.s32 s10, $0x1;
	s10 =	sld [smem:$0x3FBA]  }
0x3d: {  	_ =	shalt  }
0x3e: {  	_ =	shalt  }
0x3f: {  	_ =	shalt  }
0x40: {  	_ =	shalt  }
0x41: {  	_ =	shalt  }
0x42: {  	_ =	shalt  }
0x43: {  	_ =	shalt  }
0x44: {  	_ =	shalt  }
0x45: {  	_ =	shalt  }
0x46: {  	_ =	shalt  }
0x47: {  	_ =	shalt  }
0x48: {  	_ =	shalt  }
0x49: {  	_ =	shalt  }
0x4a: {  	_ =	shalt  }
0x4b: {  	_ =	shalt  }
0x4c: {  	_ =	shalt  }
0x4d: {  	_ =	shalt  }
0x4e: {  	_ =	shalt  }
0x4f: {  	_ =	shalt  }
0x50: {  	_ =	shalt  }
0x51: {  	_ =	shalt  }
0x52: {  	_ =	shalt  }
0x53: {  	_ =	shalt  }
0x54: {  	_ =	shalt  }
0x55: {  	_ =	shalt  }
0x56: {  	_ =	shalt  }
0x57: {  	_ =	shalt  }
0x58: {  	_ =	shalt  }
0x59: {  	_ =	shalt  }
0x5a: {  	_ =	shalt  }
0x5b: {  	_ =	shalt  }
0x5c: {  	_ =	shalt  }
0x5d: {  	_ =	shalt  }
0x5e: {  	_ =	shalt  }
0x5f: {  	_ =	shalt  }
0x60: {  	_ =	shalt  }
0x61: {  	_ =	shalt  }
0x62: {  	_ =	shalt  }
0x63: {  	_ =	shalt  }
0x64: {  	_ =	shalt  }
0x65: {  	_ =	shalt  }
0x66: {  	_ =	shalt  }
0x67: {  	_ =	shalt  }
0x68: {  	_ =	shalt  }
0x69: {  	_ =	shalt  }
0x6a: {  	_ =	shalt  }
0x6b: {  	_ =	shalt  }
0x6c: {  	_ =	shalt  }
0x6d: {  	_ =	shalt  }
0x6e: {  	_ =	shalt  }
0x6f: {  	_ =	shalt  }
0x70: {  	_ =	shalt  }
0x71: {  	_ =	shalt  }
0x72: {  	_ =	shalt  }
0x73: {  	_ =	shalt  }
0x74: {  	_ =	shalt  }
0x75: {  	_ =	shalt  }
0x76: {  	_ =	shalt  }
0x77: {  	_ =	shalt  }
0x78: {  	_ =	shalt  }
0x79: {  	_ =	shalt  }
0x7a: {  	_ =	shalt  }
0x7b: {  	_ =	shalt  }
0x7c: {  	_ =	shalt  }
0x7d: {  	_ =	shalt  }
0x7e: {  	_ =	shalt  }
0x7f: {  	_ =	shalt  }
0x80: {  	_ =	shalt  }
0x81: {  	_ =	shalt  }
0x82: {  	_ =	shalt  }
0x83: {  	_ =	shalt  }
0x84: {  	_ =	shalt  }
0x85: {  	_ =	shalt  }
0x86: {  	_ =	shalt  }
0x87: {  	_ =	shalt  }
.Lfunc_end0:
.L_simem_size_0:
called_computation_lowered:
.L_overlay_start_0:
0x88: {  	s2 =	sld [smem:$0x3FD9]  }
0x89: {  	s3 =	sld [smem:$0x3FFE];
	_ =	sdelay $0x1  }
0x8a: {  	s1 =	srdreg.scid  }
0x8b: {  	s0 =	sand.u32 $0x1, s1  }
0x8c: {  	s17 =	sshll.u32 s0, $0xA;
	s2 =	sadd.s32 s3, s2  }
0x8d: {  	s2 =	sadd.s32 s2, s17  }
0x8e: {  	[smem:$0x3FC6] =	sst s2  }
0x8f: {  	_ = 	snop  }
0x90: {  	s2 =	sld [smem:$0x3FC8]  }
0x91: {  	s18 =	sld [smem:$0x3FD0];
	(tm) =	ssettm $0x1  }
0x92: {  	s4 =	sld [smem:$0x3FFB];
	_ =	sdelay $0x3  }
0x93: {  	_ =	strace s4  }
0x94: {  	s4 =	sld [smem:$0x3FFC];
	_ =	sdelay $0x3  }
0x95: {  	_ =	strace s4  }
0x96: {  	s4 =	sld [smem:$0x3FFD];
	_ =	sdelay $0x3  }
0x97: {  	_ =	strace s4  }
0x98: {  	_ =	strace $0x8FFFFFFF  }
0x99: {  	s19 =	sld [smem:$0x3FDB];
	_ =	sdelay $0x1  }
0x9a: {  	s5 =	simm.s32 $_scs_section_size  }
0x9b: {  	s6 =	simm.s32 $_size__tile_overlayer_lowered;
	s7 =	simm.s32 $_tile_overlayer_lowered  }
0x9c: {  	s22 =	simm.s32 $0x1BFF;
	s21 =	sshll.u32 s7, $0x1;
	s4 =	sadd.s32 s5, s19  }
0x9d: {  	s8 =	simm.s32 $0x0;
	s20 =	sshll.u32 s6, $0x1;
	s6 =	sadd.s32 s21, s4  }
0x9e: {  	[timem:s8], [sflag:s22] =	dma.local [hbm:s6], s20  }
0x9f: {  	_ =	swait.ge [sflag:s22], s20  }
0xa0: {  	s5 =	ssub.s32 $0x0, s20;
	[sflag:s22] =	ssyncset.done $0x0  }
0xa1: {  	[sflag:s22] =	ssyncadd.s32 s5;
	_ =	sdelay $0x1  }
0xa2: {  	s23 =	simm.s32 $0x1B8B  }
0xa3: {  	_ =	swait.ge [sflag:s23], $0x1  }
0xa4: {  	[sflag:s23] =	ssyncset.done $0x0  }
0xa5: {  	s25 =	simm.s32 $0x1B8E;
	s24 =	sld [smem:$0x3FFE];
	[sflag:s23] =	ssyncadd.s32 $0xFFFFFFFF  }
0xa6: {  	s26 =	simm.s32 $execute0_lowered;
	[smem:$0x3FD2] =	sst s25  }
0xa7: {  	s6 =	sshll.u32 s26, $0x1;
	_ =	strace $0x80000046;
	[dreg:$0x1] =	wrdreg $0xFFFFFFFF  }
0xa8: {  	s28 =	simm.s32 $_size_execute0_lowered;
	s4 =	sadd.s32 s4, s6;
	[dreg:$0x0] =	wrdreg $0x0  }
0xa9: {  	s6 =	sshll.u32 s28, $0x1;
	[dreg:$0x2] =	wrdreg s4  }
0xaa: {  	[dreg:$0x3] =	wrdreg s6  }
0xab: {  	[dreg:$0x4] =	wrdreg $0xC0  }
0xac: {  	_ =	task [dreg:s8], $0x5FFFF  }
0xad: {  	[dreg:$0x1] =	wrdreg $0xFFFFFFFF  }
0xae: {  	[dreg:$0x0] =	wrdreg $0x60  }
0xaf: {  	[dreg:$0x2] =	wrdreg s24  }
0xb0: {  	[dreg:$0x3] =	wrdreg s2  }
0xb1: {  	[dreg:$0x4] =	wrdreg s18  }
0xb2: {  	[dreg:$0x5] =	wrdreg $0x9  }
0xb3: {  	_ =	task.clear_ibuf [dreg:s8], $0x6FFFF;
	_ =	strace $0x90000046  }
0xb4: {  	s29 =	simm.s32 $0x9;
	_ =	strace $0x80000048  }
0xb5: {  	_ =	swait.ge [sflag:s29], $0x1  }
0xb6: {  	[sflag:s29] =	ssyncadd.s32 $0xFFFFFFFF  }
0xb7: {  	_ =	strace $0x90000048  }
0xb8: {  	_ =	sfence  }
0xb9: {  	s30 =	sld [smem:$0x0];
	_ =	sdelay $0x2  }
0xba: {  	s31 =	sshll.u32 s1, $0xD;
	s1 =	sshrl.u32 s1, $0x2  }
0xbb: {  	s3 =	sand.u32 $0x4000, s31;
	s1 =	sadd.s32 s1, s30  }
0xbc: {  	s0 =	sor.u32 s3, s0;
	s1 =	sshll.u32 s1, $0x11  }
0xbd: {  	s0 =	sor.u32 s1, s0  }
0xbe: {  	s0 =	sadd.s32 $0x8F2B, s0  }
0xbf: {  	[sflag:s0] =	ssyncadd.remote.s32 $0x1  }
0xc0: {  	_ =	sfence.sel $0xFFFF  }
0xc1: {  	[dreg:$0x0] =	wrdreg $0xFFFFFFFF;
	(pc) =	sbr.abs _section_cstart, $3  }
0xc2: {  	[dreg:$0x1] =	wrdreg $0xFFFFFFFF  }
0xc3: {  	_ =	task.clear_ibuf [dreg:s8], $0x2FFFF;
	_ =	strace $0x9FFFFFFF  }
0xc4: {  	(tm) =	ssettm $0x7FFFFFFF  }
0xc5: {  	_ =	shalt  }
tec
execute0_lowered:
.L_overlay_start_1:
0x0: {  	(tag) =	ssettag $0x1  }
0x1: {  	s1 =	srdreg.scid;
	s0 =	stileid.u32  }
0x2: {  	s4 =	rddreg [dreg:$0x0];
	s25 =	sand.u32 $0x1, s1;
	s31 =	sshll.u32 s0, $0x1  }
0x3: {  	s2 =	rddreg [dreg:$0x1];
	s10 =	sor.u32 s25, s31  }
0x4: {  	s11 =	rddreg [dreg:$0x2];
	s5 =	smul.u32 $0x320, s10  }
0x5: {  	s3 =	simm.s32 $0x0;
	s1 =	rddreg [dreg:$0x3]  }
0x6: {  	[smem:$0x7FF] =	sst s3;
	s4 =	sadd.s32 s5, s4  }
0x7: {  	_ =	strace $0x80000047;
	s5 =	sadd.s32 $0x400, s4;
	s4 =	simm.s32 $0x2  }
0x8: {  	[tilespmem:s3], [sflag:$0x2] =	stream.linear.gather [hbm4b:s5+s3], $0x1900, $0x38;
	[tilespmem:$0x15900] =	vst v63  }
0x9: {  	_ =	swait.ge [sflag:s4], $0x1900  }
0xa: {  	s6 =	simm.s32 $0x280;
	[sflag:s4] =	ssyncset.done $0x0  }
0xb: {  	s7 =	simm.s32 $0x1900;
	s8 =	simm.s32 $0x1;
	[sflag:s4] =	ssyncadd.s32 $0xFFFFE700  }
0xc: {  	[tilespmem:s7], [sflag:$0x1] =	stream.indirect.gather [hbm4b:s2+s6], $0x80, s3, s6, $0xb8;
	[tilespmem:$0x15900] =	vst v63  }
0xd: {  	s9 =	smul.u32 $0x19000, s10;
	_ =	swait.ge [sflag:s8], $0x14000  }
0xe: {  	[sflag:s8] =	ssyncset.done $0x0  }
0xf: {  	s9 =	sadd.s32 s11, s9;
	[sflag:s8] =	ssyncadd.s32 $0xFFFEC000  }
0x10: {  	[hbm4b:s9+s3] =	stream.linear.scatter [tilespmem:s7], [sflag:$0x2], $0x14000, $0x38;
	[tilespmem:$0x15900] =	vst v63  }
0x11: {  	_ =	swait.ge [sflag:s4], $0x14000  }
0x12: {  	[sflag:s4] =	ssyncset.done $0x0  }
0x13: {  	s10 =	smul.u32 $0xC8000, s10;
	[sflag:s4] =	ssyncadd.s32 $0xFFFEC000  }
0x14: {  	[tilespmem:s7], [sflag:$0x1] =	stream.indirect.gather [hbm4b:s2+s6], $0x80, s6, s6, $0xb8;
	[tilespmem:$0x15900] =	vst v63  }
0x15: {  	s10 =	sshrl.u32 s10, $0x3;
	_ =	swait.ge [sflag:s8], $0x14000  }
0x16: {  	s26 =	sadd.s32 s11, s10;
	[sflag:s8] =	ssyncset.done $0x0  }
0x17: {  	s10 =	sadd.s32 $0x2800, s26;
	[sflag:s8] =	ssyncadd.s32 $0xFFFEC000  }
0x18: {  	[hbm4b:s10+s3] =	stream.linear.scatter [tilespmem:s7], [sflag:$0x2], $0x14000, $0x38;
	[tilespmem:$0x15900] =	vst v63  }
0x19: {  	_ =	swait.ge [sflag:s4], $0x14000  }
0x1a: {  	[sflag:s4] =	ssyncset.done $0x0  }
0x1b: {  	s11 =	simm.s32 $0x500;
	[sflag:s4] =	ssyncadd.s32 $0xFFFEC000  }
0x1c: {  	[tilespmem:s7], [sflag:$0x1] =	stream.indirect.gather [hbm4b:s2+s6], $0x80, s11, s6, $0xb8;
	[tilespmem:$0x15900] =	vst v63  }
0x1d: {  	_ =	swait.ge [sflag:s8], $0x14000  }
0x1e: {  	[sflag:s8] =	ssyncset.done $0x0  }
0x1f: {  	s12 =	sadd.s32 $0x5000, s26;
	[sflag:s8] =	ssyncadd.s32 $0xFFFEC000  }
0x20: {  	[hbm4b:s12+s3] =	stream.linear.scatter [tilespmem:s7], [sflag:$0x2], $0x14000, $0x38;
	[tilespmem:$0x15900] =	vst v63  }
0x21: {  	_ =	swait.ge [sflag:s4], $0x14000  }
0x22: {  	[sflag:s4] =	ssyncset.done $0x0  }
0x23: {  	s13 =	simm.s32 $0x780;
	[sflag:s4] =	ssyncadd.s32 $0xFFFEC000  }
0x24: {  	[tilespmem:s7], [sflag:$0x1] =	stream.indirect.gather [hbm4b:s2+s6], $0x80, s13, s6, $0xb8;
	[tilespmem:$0x15900] =	vst v63  }
0x25: {  	_ =	swait.ge [sflag:s8], $0x14000  }
0x26: {  	[sflag:s8] =	ssyncset.done $0x0  }
0x27: {  	s14 =	sadd.s32 $0x7800, s26;
	[sflag:s8] =	ssyncadd.s32 $0xFFFEC000  }
0x28: {  	[hbm4b:s14+s3] =	stream.linear.scatter [tilespmem:s7], [sflag:$0x2], $0x14000, $0x38;
	[tilespmem:$0x15900] =	vst v63  }
0x29: {  	_ =	swait.ge [sflag:s4], $0x14000  }
0x2a: {  	[sflag:s4] =	ssyncset.done $0x0  }
0x2b: {  	s15 =	simm.s32 $0xA00;
	[sflag:s4] =	ssyncadd.s32 $0xFFFEC000  }
0x2c: {  	[tilespmem:s7], [sflag:$0x1] =	stream.indirect.gather [hbm4b:s2+s6], $0x80, s15, s6, $0xb8;
	[tilespmem:$0x15900] =	vst v63  }
0x2d: {  	_ =	swait.ge [sflag:s8], $0x14000  }
0x2e: {  	[sflag:s8] =	ssyncset.done $0x0  }
0x2f: {  	s16 =	sadd.s32 $0xA000, s26;
	[sflag:s8] =	ssyncadd.s32 $0xFFFEC000  }
0x30: {  	[hbm4b:s16+s3] =	stream.linear.scatter [tilespmem:s7], [sflag:$0x2], $0x14000, $0x38;
	[tilespmem:$0x15900] =	vst v63  }
0x31: {  	_ =	swait.ge [sflag:s4], $0x14000  }
0x32: {  	[sflag:s4] =	ssyncset.done $0x0  }
0x33: {  	s17 =	simm.s32 $0xC80;
	[sflag:s4] =	ssyncadd.s32 $0xFFFEC000  }
0x34: {  	[tilespmem:s7], [sflag:$0x1] =	stream.indirect.gather [hbm4b:s2+s6], $0x80, s17, s6, $0xb8;
	[tilespmem:$0x15900] =	vst v63  }
0x35: {  	_ =	swait.ge [sflag:s8], $0x14000  }
0x36: {  	[sflag:s8] =	ssyncset.done $0x0  }
0x37: {  	s18 =	sadd.s32 $0xC800, s26;
	[sflag:s8] =	ssyncadd.s32 $0xFFFEC000  }
0x38: {  	[hbm4b:s18+s3] =	stream.linear.scatter [tilespmem:s7], [sflag:$0x2], $0x14000, $0x38;
	[tilespmem:$0x15900] =	vst v63  }
0x39: {  	_ =	swait.ge [sflag:s4], $0x14000  }
0x3a: {  	[sflag:s4] =	ssyncset.done $0x0  }
0x3b: {  	s19 =	simm.s32 $0xF00;
	[sflag:s4] =	ssyncadd.s32 $0xFFFEC000  }
0x3c: {  	[tilespmem:s7], [sflag:$0x1] =	stream.indirect.gather [hbm4b:s2+s6], $0x80, s19, s6, $0xb8;
	[tilespmem:$0x15900] =	vst v63  }
0x3d: {  	_ =	swait.ge [sflag:s8], $0x14000  }
0x3e: {  	[sflag:s8] =	ssyncset.done $0x0  }
0x3f: {  	s20 =	sadd.s32 $0xF000, s26;
	[sflag:s8] =	ssyncadd.s32 $0xFFFEC000  }
0x40: {  	[hbm4b:s20+s3] =	stream.linear.scatter [tilespmem:s7], [sflag:$0x2], $0x14000, $0x38;
	[tilespmem:$0x15900] =	vst v63  }
0x41: {  	_ =	swait.ge [sflag:s4], $0x14000  }
0x42: {  	[sflag:s4] =	ssyncset.done $0x0  }
0x43: {  	s21 =	simm.s32 $0x1180;
	[sflag:s4] =	ssyncadd.s32 $0xFFFEC000  }
0x44: {  	[tilespmem:s7], [sflag:$0x1] =	stream.indirect.gather [hbm4b:s2+s6], $0x80, s21, s6, $0xb8;
	[tilespmem:$0x15900] =	vst v63  }
0x45: {  	_ =	swait.ge [sflag:s8], $0x14000  }
0x46: {  	[sflag:s8] =	ssyncset.done $0x0  }
0x47: {  	s22 =	sadd.s32 $0x11800, s26;
	[sflag:s8] =	ssyncadd.s32 $0xFFFEC000  }
0x48: {  	[hbm4b:s22+s3] =	stream.linear.scatter [tilespmem:s7], [sflag:$0x2], $0x14000, $0x38;
	[tilespmem:$0x15900] =	vst v63  }
0x49: {  	_ =	swait.ge [sflag:s4], $0x14000  }
0x4a: {  	[sflag:s4] =	ssyncset.done $0x0  }
0x4b: {  	s23 =	simm.s32 $0x1400;
	[sflag:s4] =	ssyncadd.s32 $0xFFFEC000  }
0x4c: {  	[tilespmem:s7], [sflag:$0x1] =	stream.indirect.gather [hbm4b:s2+s6], $0x80, s23, s6, $0xb8;
	[tilespmem:$0x15900] =	vst v63  }
0x4d: {  	_ =	swait.ge [sflag:s8], $0x14000  }
0x4e: {  	[sflag:s8] =	ssyncset.done $0x0  }
0x4f: {  	s28 =	ssub.s32 $0x2, s25;
	s24 =	sadd.s32 $0x14000, s26;
	[sflag:s8] =	ssyncadd.s32 $0xFFFEC000  }
0x50: {  	[hbm4b:s24+s3] =	stream.linear.scatter [tilespmem:s7], [sflag:$0x2], $0x14000, $0x38;
	[tilespmem:$0x15900] =	vst v63  }
0x51: {  	s29 =	sshrl.u32 s28, $0x1;
	_ =	swait.ge [sflag:s4], $0x14000  }
0x52: {  	s28 =	ssub.s32 s28, s29;
	[sflag:s4] =	ssyncset.done $0x0  }
0x53: {  	s25 =	simm.s32 $0x1680;
	s28 =	smax.u32 s28, $0x1;
	[sflag:s4] =	ssyncadd.s32 $0xFFFEC000  }
0x54: {  	[tilespmem:s7], [sflag:$0x1] =	stream.indirect.gather [hbm4b:s2+s6], $0x80, s25, s6, $0xb8;
	[tilespmem:$0x15900] =	vst v63  }
0x55: {  	p0 =	sne.s32 s28, $0x1;
	_ =	swait.ge [sflag:s8], $0x14000  }
.Ltmp0:
0x56: {  	[sflag:s8] =	ssyncset.done $0x0;
	(pc) =	sbr.rel @!p0 .LBB2_2-.Ltmp0, $4  }
0x57: {  	s26 =	sadd.s32 $0x16800, s26;
	[sflag:s8] =	ssyncadd.s32 $0xFFFEC000  }
0x58: {  	[hbm4b:s26+s3] =	stream.linear.scatter [tilespmem:s7], [sflag:$0x2], $0x14000, $0x38;
	[tilespmem:$0x15900] =	vst v63  }
0x59: {  	_ =	swait.ge [sflag:s4], $0x14000  }
0x5a: {  	s28 =	sadd.s32 $0xFFFFFFFF, s28;
	[sflag:s4] =	ssyncset.done $0x0  }
.LBB2_1:
0x5b: {  	p0 =	sne.s32 s28, $0x1;
	s28 =	sadd.s32 $0xFFFFFFFF, s28;
	[sflag:s4] =	ssyncadd.s32 $0xFFFEC000  }
0x5c: {  	[tilespmem:s3], [sflag:$0x2] =	stream.linear.gather [hbm4b:s5+s3], $0x1900, $0x38;
	[tilespmem:$0x15900] =	vst v63  }
0x5d: {  	_ =	swait.ge [sflag:s4], $0x1900  }
0x5e: {  	[sflag:s4] =	ssyncset.done $0x0  }
0x5f: {  	[sflag:s4] =	ssyncadd.s32 $0xFFFFE700  }
0x60: {  	[tilespmem:s7], [sflag:$0x1] =	stream.indirect.gather [hbm4b:s2+s6], $0x80, s3, s6, $0xb8;
	[tilespmem:$0x15900] =	vst v63  }
0x61: {  	_ =	swait.ge [sflag:s8], $0x14000  }
0x62: {  	[sflag:s8] =	ssyncset.done $0x0  }
0x63: {  	[sflag:s8] =	ssyncadd.s32 $0xFFFEC000  }
0x64: {  	[hbm4b:s9+s3] =	stream.linear.scatter [tilespmem:s7], [sflag:$0x2], $0x14000, $0x38;
	[tilespmem:$0x15900] =	vst v63  }
0x65: {  	_ =	swait.ge [sflag:s4], $0x14000  }
0x66: {  	[sflag:s4] =	ssyncset.done $0x0  }
0x67: {  	[sflag:s4] =	ssyncadd.s32 $0xFFFEC000  }
0x68: {  	[tilespmem:s7], [sflag:$0x1] =	stream.indirect.gather [hbm4b:s2+s6], $0x80, s6, s6, $0xb8;
	[tilespmem:$0x15900] =	vst v63  }
0x69: {  	_ =	swait.ge [sflag:s8], $0x14000  }
0x6a: {  	[sflag:s8] =	ssyncset.done $0x0  }
0x6b: {  	[sflag:s8] =	ssyncadd.s32 $0xFFFEC000  }
0x6c: {  	[hbm4b:s10+s3] =	stream.linear.scatter [tilespmem:s7], [sflag:$0x2], $0x14000, $0x38;
	[tilespmem:$0x15900] =	vst v63  }
0x6d: {  	_ =	swait.ge [sflag:s4], $0x14000  }
0x6e: {  	[sflag:s4] =	ssyncset.done $0x0  }
0x6f: {  	[sflag:s4] =	ssyncadd.s32 $0xFFFEC000  }
0x70: {  	[tilespmem:s7], [sflag:$0x1] =	stream.indirect.gather [hbm4b:s2+s6], $0x80, s11, s6, $0xb8;
	[tilespmem:$0x15900] =	vst v63  }
0x71: {  	_ =	swait.ge [sflag:s8], $0x14000  }
0x72: {  	[sflag:s8] =	ssyncset.done $0x0  }
0x73: {  	[sflag:s8] =	ssyncadd.s32 $0xFFFEC000  }
0x74: {  	[hbm4b:s12+s3] =	stream.linear.scatter [tilespmem:s7], [sflag:$0x2], $0x14000, $0x38;
	[tilespmem:$0x15900] =	vst v63  }
0x75: {  	_ =	swait.ge [sflag:s4], $0x14000  }
0x76: {  	[sflag:s4] =	ssyncset.done $0x0  }
0x77: {  	[sflag:s4] =	ssyncadd.s32 $0xFFFEC000  }
0x78: {  	[tilespmem:s7], [sflag:$0x1] =	stream.indirect.gather [hbm4b:s2+s6], $0x80, s13, s6, $0xb8;
	[tilespmem:$0x15900] =	vst v63  }
0x79: {  	_ =	swait.ge [sflag:s8], $0x14000  }
0x7a: {  	[sflag:s8] =	ssyncset.done $0x0  }
0x7b: {  	[sflag:s8] =	ssyncadd.s32 $0xFFFEC000  }
0x7c: {  	[hbm4b:s14+s3] =	stream.linear.scatter [tilespmem:s7], [sflag:$0x2], $0x14000, $0x38;
	[tilespmem:$0x15900] =	vst v63  }
0x7d: {  	_ =	swait.ge [sflag:s4], $0x14000  }
0x7e: {  	[sflag:s4] =	ssyncset.done $0x0  }
0x7f: {  	[sflag:s4] =	ssyncadd.s32 $0xFFFEC000  }
0x80: {  	[tilespmem:s7], [sflag:$0x1] =	stream.indirect.gather [hbm4b:s2+s6], $0x80, s15, s6, $0xb8;
	[tilespmem:$0x15900] =	vst v63  }
0x81: {  	_ =	swait.ge [sflag:s8], $0x14000  }
0x82: {  	[sflag:s8] =	ssyncset.done $0x0  }
0x83: {  	[sflag:s8] =	ssyncadd.s32 $0xFFFEC000  }
0x84: {  	[hbm4b:s16+s3] =	stream.linear.scatter [tilespmem:s7], [sflag:$0x2], $0x14000, $0x38;
	[tilespmem:$0x15900] =	vst v63  }
0x85: {  	_ =	swait.ge [sflag:s4], $0x14000  }
0x86: {  	[sflag:s4] =	ssyncset.done $0x0  }
0x87: {  	[sflag:s4] =	ssyncadd.s32 $0xFFFEC000  }
0x88: {  	[tilespmem:s7], [sflag:$0x1] =	stream.indirect.gather [hbm4b:s2+s6], $0x80, s17, s6, $0xb8;
	[tilespmem:$0x15900] =	vst v63  }
0x89: {  	_ =	swait.ge [sflag:s8], $0x14000  }
0x8a: {  	[sflag:s8] =	ssyncset.done $0x0  }
0x8b: {  	[sflag:s8] =	ssyncadd.s32 $0xFFFEC000  }
0x8c: {  	[hbm4b:s18+s3] =	stream.linear.scatter [tilespmem:s7], [sflag:$0x2], $0x14000, $0x38;
	[tilespmem:$0x15900] =	vst v63  }
0x8d: {  	_ =	swait.ge [sflag:s4], $0x14000  }
0x8e: {  	[sflag:s4] =	ssyncset.done $0x0  }
0x8f: {  	[sflag:s4] =	ssyncadd.s32 $0xFFFEC000  }
0x90: {  	[tilespmem:s7], [sflag:$0x1] =	stream.indirect.gather [hbm4b:s2+s6], $0x80, s19, s6, $0xb8;
	[tilespmem:$0x15900] =	vst v63  }
0x91: {  	_ =	swait.ge [sflag:s8], $0x14000  }
0x92: {  	[sflag:s8] =	ssyncset.done $0x0  }
0x93: {  	[sflag:s8] =	ssyncadd.s32 $0xFFFEC000  }
0x94: {  	[hbm4b:s20+s3] =	stream.linear.scatter [tilespmem:s7], [sflag:$0x2], $0x14000, $0x38;
	[tilespmem:$0x15900] =	vst v63  }
0x95: {  	_ =	swait.ge [sflag:s4], $0x14000  }
0x96: {  	[sflag:s4] =	ssyncset.done $0x0  }
0x97: {  	[sflag:s4] =	ssyncadd.s32 $0xFFFEC000  }
0x98: {  	[tilespmem:s7], [sflag:$0x1] =	stream.indirect.gather [hbm4b:s2+s6], $0x80, s21, s6, $0xb8;
	[tilespmem:$0x15900] =	vst v63  }
0x99: {  	_ =	swait.ge [sflag:s8], $0x14000  }
0x9a: {  	[sflag:s8] =	ssyncset.done $0x0  }
0x9b: {  	[sflag:s8] =	ssyncadd.s32 $0xFFFEC000  }
0x9c: {  	[hbm4b:s22+s3] =	stream.linear.scatter [tilespmem:s7], [sflag:$0x2], $0x14000, $0x38;
	[tilespmem:$0x15900] =	vst v63  }
0x9d: {  	_ =	swait.ge [sflag:s4], $0x14000  }
0x9e: {  	[sflag:s4] =	ssyncset.done $0x0  }
0x9f: {  	[sflag:s4] =	ssyncadd.s32 $0xFFFEC000  }
0xa0: {  	[tilespmem:s7], [sflag:$0x1] =	stream.indirect.gather [hbm4b:s2+s6], $0x80, s23, s6, $0xb8;
	[tilespmem:$0x15900] =	vst v63  }
0xa1: {  	_ =	swait.ge [sflag:s8], $0x14000  }
0xa2: {  	[sflag:s8] =	ssyncset.done $0x0  }
0xa3: {  	[sflag:s8] =	ssyncadd.s32 $0xFFFEC000  }
0xa4: {  	[hbm4b:s24+s3] =	stream.linear.scatter [tilespmem:s7], [sflag:$0x2], $0x14000, $0x38;
	[tilespmem:$0x15900] =	vst v63  }
0xa5: {  	_ =	swait.ge [sflag:s4], $0x14000  }
0xa6: {  	[sflag:s4] =	ssyncset.done $0x0  }
0xa7: {  	[sflag:s4] =	ssyncadd.s32 $0xFFFEC000  }
0xa8: {  	[tilespmem:s7], [sflag:$0x1] =	stream.indirect.gather [hbm4b:s2+s6], $0x80, s25, s6, $0xb8;
	[tilespmem:$0x15900] =	vst v63  }
0xa9: {  	_ =	swait.ge [sflag:s8], $0x14000  }
.Ltmp1:
0xaa: {  	[sflag:s8] =	ssyncset.done $0x0;
	(pc) =	sbr.rel @p0 .LBB2_1-.Ltmp1, $4  }
0xab: {  	[sflag:s8] =	ssyncadd.s32 $0xFFFEC000  }
0xac: {  	[hbm4b:s26+s3] =	stream.linear.scatter [tilespmem:s7], [sflag:$0x2], $0x14000, $0x38;
	[tilespmem:$0x15900] =	vst v63  }
0xad: {  	_ =	swait.ge [sflag:s4], $0x14000  }
0xae: {  	[sflag:s4] =	ssyncset.done $0x0  }
.LBB2_2:
0xaf: {  	[sflag:s4] =	ssyncadd.s32 $0xFFFEC000  }
0xb0: {  	_ =	sfence.sel $0x180000  }
0xb1: {  	[bflag:$0x0] =	sbarrier.arrive $0xFFFF  }
0xb2: {  	p0 =	sne.s32 s0, $0x0;
	_ =	strace $0x90000047  }
0xb3: {  	s0 =	sadd.s32 @!p0 $0x100000, s1;
	[bflag:$0x2] =	sbarrier.arrive $0xFFFF  }
0xb4: {  	[sflag:s0] =	ssyncadd.tile.s32 @!p0 $0x1;
	_ =	shalt  }
.Lfunc_end2:
_tile_overlayer_lowered:
.L_overlay_start_2:
0xb5: {  	(tag) =	ssettag $0x2  }
0xb6: {  	s0 =	rddreg [dreg:$0x0];
	s2 =	stileid.u32  }
0xb7: {  	s1 =	rddreg [dreg:$0x1];
	p0 =	sne.s32 s2, $0x0  }
0xb8: {  	s3 =	rddreg [dreg:$0x2];
	[bflag:$0x3] =	sbarrier.arrive $0xFFFF;
	s2 =	simm.s32 @!p0 $0x1C02  }
0xb9: {  	[timem:s3], [sflag:s2] =	dma.local @!p0 [hbm:s0], s1  }
0xba: {  	s0 =	simm.s32 @!p0 $0x2  }
0xbb: {  	_ =	swait.ge @!p0 [sflag:s0], s1  }
0xbc: {  	s1 =	ssub.s32 @!p0 $0x0, s1;
	[sflag:s0] =	ssyncset.done @!p0 $0x0  }
0xbd: {  	[sflag:s0] =	ssyncadd.s32 @!p0 s1  }
0xbe: {  	[bflag:$0x3] =	sbarrier.arrive $0xFFFF  }
0xbf: {  	_ =	shalt  }

</sc_bundles>
